<compile_context>
chip_gen: v7x
topology: tpu7x:2x2x1
jax: 0.10.2.dev20260603
libtpu: 0.0.44.dev20260713+nightly
codegen_flags: <defaults>
</compile_context>

<pallas_src>
import functools

import jax
import jax.numpy as jnp
from jax import lax
from jax.experimental import pallas as pl
from jax.experimental.pallas import tpu as pltpu
import jax.experimental.pallas.tpu_sc as plsc

_Q, _N, _F = 1024, 20000, 64
_NB = 2048
_NPAD = 20480
_NBLK = _NPAD // _NB
_BIGF = 3.0e38



def _argmin_body(a_ref, pt_ref, a2_ref, idx_out, min_ref, idx_ref):
    nb = pl.program_id(0)
    a = a_ref[...]
    pt = pt_ref[...]
    b2 = (pt[0:1] * pt[0:1] + pt[1:2] * pt[1:2]) + pt[2:3] * pt[2:3]
    mm2 = lax.dot_general(a, pt * (-2.0), (((1,), (0,)), ((), ())),
                          preferred_element_type=jnp.float32)
    d = (a2_ref[...] + b2) + mm2
    bmin = jnp.min(d, axis=1, keepdims=True)
    colf = (lax.broadcasted_iota(jnp.int32, (1, _NB), 1)
            + nb * _NB).astype(jnp.float32)
    bidx = jnp.min(
        jnp.where(d == bmin, jnp.broadcast_to(colf, d.shape), _BIGF),
        axis=1, keepdims=True)

    @pl.when(nb == 0)
    def _():
        min_ref[...] = jnp.full_like(min_ref, _BIGF)
        idx_ref[...] = jnp.zeros_like(idx_ref)

    better = bmin < min_ref[...]
    min_ref[...] = jnp.where(better, bmin, min_ref[...])
    idx_ref[...] = jnp.where(better, bidx, idx_ref[...])

    @pl.when(nb == _NBLK - 1)
    def _():
        idx_out[...] = idx_ref[...].astype(jnp.int32)


def _argmin_call(locs, posT, a2):
    return pl.pallas_call(
        _argmin_body,
        grid=(_NBLK,),
        in_specs=[
            pl.BlockSpec((_Q, 3), lambda nb: (0, 0)),
            pl.BlockSpec((3, _NB), lambda nb: (0, nb)),
            pl.BlockSpec((_Q, 1), lambda nb: (0, 0)),
        ],
        out_specs=pl.BlockSpec((_Q, 1), lambda nb: (0, 0)),
        out_shape=jax.ShapeDtypeStruct((_Q, 1), jnp.int32),
        scratch_shapes=[pltpu.VMEM((_Q, 1), jnp.float32),
                        pltpu.VMEM((_Q, 1), jnp.float32)],
        compiler_params=pltpu.CompilerParams(
            dimension_semantics=("arbitrary",)),
    )(locs, posT, a2)



_SC_NC, _SC_NS = 2, 16
_NW = _SC_NC * _SC_NS
_BPW = _Q // _NW


def _sc_gather(feats_l, feats_r, idx_l, idx_r):
    mesh = plsc.VectorSubcoreMesh(core_axis_name="c", subcore_axis_name="s",
                                  num_cores=_SC_NC, num_subcores=_SC_NS)

    @functools.partial(
        pl.kernel,
        out_type=[jax.ShapeDtypeStruct((_Q, _F), jnp.float32),
                  jax.ShapeDtypeStruct((_Q, _F), jnp.float32)],
        mesh=mesh,
        scratch_types=[pltpu.VMEM((_BPW,), jnp.int32),
                       pltpu.VMEM((_BPW, _F), jnp.float32),
                       pltpu.VMEM((_BPW,), jnp.int32),
                       pltpu.VMEM((_BPW, _F), jnp.float32),
                       pltpu.SemaphoreType.DMA,
                       pltpu.SemaphoreType.DMA],
        compiler_params=pltpu.CompilerParams(use_tc_tiling_on_sc=False),
    )
    def k(fl_hbm, fr_hbm, il_hbm, ir_hbm, ol_hbm, or_hbm,
          il_v, rl_v, ir_v, rr_v, sem_l, sem_r):
        wid = lax.axis_index("s") * _SC_NC + lax.axis_index("c")
        base = wid * _BPW
        pltpu.sync_copy(il_hbm.at[pl.ds(base, _BPW)], il_v)
        pltpu.sync_copy(ir_hbm.at[pl.ds(base, _BPW)], ir_v)
        cl = pltpu.async_copy(fl_hbm.at[il_v], rl_v, sem_l)
        cr = pltpu.async_copy(fr_hbm.at[ir_v], rr_v, sem_r)
        cl.wait()
        cr.wait()
        pltpu.sync_copy(rl_v, ol_hbm.at[pl.ds(base, _BPW)])
        pltpu.sync_copy(rr_v, or_hbm.at[pl.ds(base, _BPW)])

    return k(feats_l, feats_r, idx_l, idx_r)



def _mlp_body(gl_ref, gr_ref, w1a_ref, w1b_ref, b1_ref, w2_ref, b2_ref, o_ref):
    h = (jnp.dot(gl_ref[...], w1a_ref[...], preferred_element_type=jnp.float32)
         + jnp.dot(gr_ref[...], w1b_ref[...], preferred_element_type=jnp.float32)
         + b1_ref[...])
    h = jnp.maximum(h, 0.0)
    o_ref[...] = (jnp.dot(h, w2_ref[...], preferred_element_type=jnp.float32)
                  + b2_ref[...])


def _mlp_call(gl, gr, w1a, w1b, b1, w2, b2):
    return pl.pallas_call(
        _mlp_body,
        out_shape=jax.ShapeDtypeStruct((_Q, 1), jnp.float32),
    )(gl, gr, w1a, w1b, b1, w2, b2)



def kernel(locs_left, locs_right, pos_left, pos_right,
           feats_left, feats_right, W1, b1, W2, b2):
    a2l = jnp.sum(locs_left * locs_left, axis=1, keepdims=True)
    a2r = jnp.sum(locs_right * locs_right, axis=1, keepdims=True)
    ptl = jnp.pad(pos_left.T, ((0, 0), (0, _NPAD - _N)),
                  constant_values=1e15)
    ptr = jnp.pad(pos_right.T, ((0, 0), (0, _NPAD - _N)),
                  constant_values=1e15)
    idx_l = _argmin_call(locs_left, ptl, a2l)
    idx_r = _argmin_call(locs_right, ptr, a2r)
    gl, gr = _sc_gather(feats_left, feats_right,
                        idx_l[:, 0], idx_r[:, 0])
    out = _mlp_call(gl, gr, W1[:_F], W1[_F:], b1.reshape(1, -1),
                    W2, b2.reshape(1, 1))
    return out.reshape(-1)

# --- scband reference (transcript-rebuilt; emitter-appended) ---
"""Pipeline reference for scband-pipnet-40183714021718 (READ-ONLY COPY).

The authoritative reference and input builder live on the scoring server;
editing this copy changes nothing except your own understanding.
"""

import jax, jax.numpy as jnp
import numpy as np

Q, N, F = 1024, 20000, 64
IN_F = 2 * F


def setup_inputs(seed: int = 0) -> dict:
    key = jax.random.key(seed)
    ks = jax.random.split(key, 10)
    return {
        "locs_left": jax.random.normal(ks[0], (Q, 3), dtype=jnp.float32),
        "locs_right": jax.random.normal(ks[1], (Q, 3), dtype=jnp.float32),
        "pos_left": jax.random.normal(ks[2], (N, 3), dtype=jnp.float32),
        "pos_right": jax.random.normal(ks[3], (N, 3), dtype=jnp.float32),
        "feats_left": jax.random.normal(ks[4], (N, F), dtype=jnp.float32),
        "feats_right": jax.random.normal(ks[5], (N, F), dtype=jnp.float32),
        "W1": jax.random.normal(ks[6], (IN_F, IN_F), dtype=jnp.float32) * 0.05,
        "b1": jnp.zeros((IN_F,), dtype=jnp.float32),
        "W2": jax.random.normal(ks[7], (IN_F, 1), dtype=jnp.float32) * 0.05,
        "b2": jnp.zeros((1,), dtype=jnp.float32),
    }


def _sqcdist(a, b):
    # squared euclidean distances; argmin(sq) == argmin(cdist)
    a2 = jnp.sum(a * a, axis=1, keepdims=True)
    b2 = jnp.sum(b * b, axis=1)
    return a2 + b2[None, :] - 2.0 * (a @ b.T)


def reference(locs_left, locs_right, pos_left, pos_right, feats_left, feats_right, W1, b1, W2, b2):
    # project_processed_graph: 1-NN retrieval of node features at query locations
    idx_l = jnp.argmin(_sqcdist(locs_left, pos_left), axis=1)
    idx_r = jnp.argmin(_sqcdist(locs_right, pos_right), axis=1)
    proc_l = jnp.take(feats_left, idx_l, axis=0)
    proc_r = jnp.take(feats_right, idx_r, axis=0)
    x = jnp.concatenate([proc_l, proc_r], axis=1)
    # top_net: Linear -> ReLU -> Dropout(eval=identity) -> Linear
    h = jax.nn.relu(x @ W1 + b1)
    out = h @ W2 + b2
    return out.reshape(-1)

if __name__ == "__main__":
    import jax
    _d = setup_inputs()
    print(jax.jit(kernel)(*tuple(_d.values())))

</pallas_src>

<mosaic_0001>
#map = affine_map<(d0, d1) -> (0, 0)>
#map1 = affine_map<(d0, d1) -> (0)>
module attributes {stable_mosaic.version = 14 : i64} {
  func.func @k(%arg0: i32, %arg1: i32, %arg2: memref<20000x64xf32, #tpu.memory_space<hbm>>, %arg3: memref<20000x64xf32, #tpu.memory_space<hbm>>, %arg4: memref<1024xi32, #tpu.memory_space<hbm>>, %arg5: memref<1024xi32, #tpu.memory_space<hbm>>, %arg6: memref<1024x64xf32, #tpu.memory_space<hbm>>, %arg7: memref<1024x64xf32, #tpu.memory_space<hbm>>, %arg8: memref<32xi32, #tpu.memory_space<vmem>>, %arg9: memref<32x64xf32, #tpu.memory_space<vmem>>, %arg10: memref<32xi32, #tpu.memory_space<vmem>>, %arg11: memref<32x64xf32, #tpu.memory_space<vmem>>, %arg12: memref<!tpu.dma_semaphore, #tpu.memory_space<semaphore_mem>>, %arg13: memref<!tpu.dma_semaphore, #tpu.memory_space<semaphore_mem>>) attributes {dimension_semantics = [#tpu.dimension_semantics<core_parallel>, #tpu.dimension_semantics<subcore_parallel>], iteration_bounds = array<i64: 2, 16>, scalar_prefetch = 0 : i64, scratch_operands = 6 : i64, tpu.core_type = #tpu.core_type<sc_vector_subcore>, window_params = [{transform_indices = #map}, {transform_indices = #map}, {transform_indices = #map1}, {transform_indices = #map1}, {transform_indices = #map}, {transform_indices = #map}]} {
    %mul3A = arith.constant 2 : i32
    %mul3A_0 = arith.muli %arg1, %mul3A : i32
    %add3A = arith.addi %mul3A_0, %arg0 : i32
    %mul3A_1 = arith.constant 32 : i32
    %mul3A_2 = arith.muli %add3A, %mul3A_1 : i32
    "tpu.region"() ({
      %run_scoped3A = tpu.sem_alloc : memref<!tpu.dma_semaphore, #tpu.memory_space<semaphore_mem>>
      %dma_start3A_13 = tpu.memref_slice %arg4[%mul3A_2] : memref<1024xi32, #tpu.memory_space<hbm>> -> memref<32xi32, #tpu.memory_space<hbm>>
      %dma_start3A_14 = tpu.memref_slice %arg4[%mul3A_2] : memref<1024xi32, #tpu.memory_space<hbm>> -> memref<32xi32, #tpu.memory_space<hbm>>
      tpu.enqueue_dma source(%dma_start3A_14 : memref<32xi32, #tpu.memory_space<hbm>>) target(%arg8 : memref<32xi32, #tpu.memory_space<vmem>>) target_semaphore(%run_scoped3A : memref<!tpu.dma_semaphore, #tpu.memory_space<semaphore_mem>>)
      %dma_wait3A_15 = tpu.memref_slice %arg4[%mul3A_2] : memref<1024xi32, #tpu.memory_space<hbm>> -> memref<32xi32, #tpu.memory_space<hbm>>
      %dma_wait3A_16 = tpu.memref_slice %arg4[%mul3A_2] : memref<1024xi32, #tpu.memory_space<hbm>> -> memref<32xi32, #tpu.memory_space<hbm>>
      tpu.wait_dma2 semaphore(%run_scoped3A : memref<!tpu.dma_semaphore, #tpu.memory_space<semaphore_mem>>) src(%dma_wait3A_16 : memref<32xi32, #tpu.memory_space<hbm>>) dst(%arg8 : memref<32xi32, #tpu.memory_space<vmem>>)
      tpu.yield
    }) : () -> ()
    "tpu.region"() ({
      %run_scoped3A = tpu.sem_alloc : memref<!tpu.dma_semaphore, #tpu.memory_space<semaphore_mem>>
      %dma_start3A_13 = tpu.memref_slice %arg5[%mul3A_2] : memref<1024xi32, #tpu.memory_space<hbm>> -> memref<32xi32, #tpu.memory_space<hbm>>
      %dma_start3A_14 = tpu.memref_slice %arg5[%mul3A_2] : memref<1024xi32, #tpu.memory_space<hbm>> -> memref<32xi32, #tpu.memory_space<hbm>>
      tpu.enqueue_dma source(%dma_start3A_14 : memref<32xi32, #tpu.memory_space<hbm>>) target(%arg10 : memref<32xi32, #tpu.memory_space<vmem>>) target_semaphore(%run_scoped3A : memref<!tpu.dma_semaphore, #tpu.memory_space<semaphore_mem>>)
      %dma_wait3A_15 = tpu.memref_slice %arg5[%mul3A_2] : memref<1024xi32, #tpu.memory_space<hbm>> -> memref<32xi32, #tpu.memory_space<hbm>>
      %dma_wait3A_16 = tpu.memref_slice %arg5[%mul3A_2] : memref<1024xi32, #tpu.memory_space<hbm>> -> memref<32xi32, #tpu.memory_space<hbm>>
      tpu.wait_dma2 semaphore(%run_scoped3A : memref<!tpu.dma_semaphore, #tpu.memory_space<semaphore_mem>>) src(%dma_wait3A_16 : memref<32xi32, #tpu.memory_space<hbm>>) dst(%arg10 : memref<32xi32, #tpu.memory_space<vmem>>)
      tpu.yield
    }) : () -> ()
    %dma_start3A = arith.constant 0 : i32
    %dma_start3A_3 = arith.constant 0 : i32
    %dma_start3A_4 = tpu.memref_slice %arg2[%dma_start3A, %dma_start3A_3] : memref<20000x64xf32, #tpu.memory_space<hbm>> -> memref<20000x64xf32, #tpu.memory_space<hbm>>
    tpu.enqueue_indirect_dma source(%dma_start3A_4 : memref<20000x64xf32, #tpu.memory_space<hbm>>) target(%arg9 : memref<32x64xf32, #tpu.memory_space<vmem>>) offsets(%arg8 : memref<32xi32, #tpu.memory_space<vmem>>) semaphore(%arg12 : memref<!tpu.dma_semaphore, #tpu.memory_space<semaphore_mem>>)
    %dma_start3A_5 = arith.constant 0 : i32
    %dma_start3A_6 = arith.constant 0 : i32
    %dma_start3A_7 = tpu.memref_slice %arg3[%dma_start3A_5, %dma_start3A_6] : memref<20000x64xf32, #tpu.memory_space<hbm>> -> memref<20000x64xf32, #tpu.memory_space<hbm>>
    tpu.enqueue_indirect_dma source(%dma_start3A_7 : memref<20000x64xf32, #tpu.memory_space<hbm>>) target(%arg11 : memref<32x64xf32, #tpu.memory_space<vmem>>) offsets(%arg10 : memref<32xi32, #tpu.memory_space<vmem>>) semaphore(%arg13 : memref<!tpu.dma_semaphore, #tpu.memory_space<semaphore_mem>>)
    %dma_wait3A = arith.constant 0 : i32
    %dma_wait3A_8 = arith.constant 0 : i32
    %dma_wait3A_9 = tpu.memref_slice %arg2[%dma_wait3A, %dma_wait3A_8] : memref<20000x64xf32, #tpu.memory_space<hbm>> -> memref<20000x64xf32, #tpu.memory_space<hbm>>
    tpu.wait_indirect_dma semaphore(%arg12 : memref<!tpu.dma_semaphore, #tpu.memory_space<semaphore_mem>>) src(%dma_wait3A_9 : memref<20000x64xf32, #tpu.memory_space<hbm>>) dst(%arg9 : memref<32x64xf32, #tpu.memory_space<vmem>>)
    %dma_wait3A_10 = arith.constant 0 : i32
    %dma_wait3A_11 = arith.constant 0 : i32
    %dma_wait3A_12 = tpu.memref_slice %arg3[%dma_wait3A_10, %dma_wait3A_11] : memref<20000x64xf32, #tpu.memory_space<hbm>> -> memref<20000x64xf32, #tpu.memory_space<hbm>>
    tpu.wait_indirect_dma semaphore(%arg13 : memref<!tpu.dma_semaphore, #tpu.memory_space<semaphore_mem>>) src(%dma_wait3A_12 : memref<20000x64xf32, #tpu.memory_space<hbm>>) dst(%arg11 : memref<32x64xf32, #tpu.memory_space<vmem>>)
    "tpu.region"() ({
      %run_scoped3A = tpu.sem_alloc : memref<!tpu.dma_semaphore, #tpu.memory_space<semaphore_mem>>
      %dma_start3A_13 = arith.constant 0 : i32
      %dma_start3A_14 = tpu.memref_slice %arg6[%mul3A_2, %dma_start3A_13] : memref<1024x64xf32, #tpu.memory_space<hbm>> -> memref<32x64xf32, #tpu.memory_space<hbm>>
      %dma_start3A_15 = arith.constant 0 : i32
      %dma_start3A_16 = tpu.memref_slice %arg6[%mul3A_2, %dma_start3A_15] : memref<1024x64xf32, #tpu.memory_space<hbm>> -> memref<32x64xf32, #tpu.memory_space<hbm>>
      tpu.enqueue_dma source(%arg9 : memref<32x64xf32, #tpu.memory_space<vmem>>) target(%dma_start3A_16 : memref<32x64xf32, #tpu.memory_space<hbm>>) target_semaphore(%run_scoped3A : memref<!tpu.dma_semaphore, #tpu.memory_space<semaphore_mem>>)
      %dma_wait3A_17 = arith.constant 0 : i32
      %dma_wait3A_18 = tpu.memref_slice %arg6[%mul3A_2, %dma_wait3A_17] : memref<1024x64xf32, #tpu.memory_space<hbm>> -> memref<32x64xf32, #tpu.memory_space<hbm>>
      %dma_wait3A_19 = arith.constant 0 : i32
      %dma_wait3A_20 = tpu.memref_slice %arg6[%mul3A_2, %dma_wait3A_19] : memref<1024x64xf32, #tpu.memory_space<hbm>> -> memref<32x64xf32, #tpu.memory_space<hbm>>
      tpu.wait_dma2 semaphore(%run_scoped3A : memref<!tpu.dma_semaphore, #tpu.memory_space<semaphore_mem>>) src(%arg9 : memref<32x64xf32, #tpu.memory_space<vmem>>) dst(%dma_wait3A_20 : memref<32x64xf32, #tpu.memory_space<hbm>>)
      tpu.yield
    }) : () -> ()
    "tpu.region"() ({
      %run_scoped3A = tpu.sem_alloc : memref<!tpu.dma_semaphore, #tpu.memory_space<semaphore_mem>>
      %dma_start3A_13 = arith.constant 0 : i32
      %dma_start3A_14 = tpu.memref_slice %arg7[%mul3A_2, %dma_start3A_13] : memref<1024x64xf32, #tpu.memory_space<hbm>> -> memref<32x64xf32, #tpu.memory_space<hbm>>
      %dma_start3A_15 = arith.constant 0 : i32
      %dma_start3A_16 = tpu.memref_slice %arg7[%mul3A_2, %dma_start3A_15] : memref<1024x64xf32, #tpu.memory_space<hbm>> -> memref<32x64xf32, #tpu.memory_space<hbm>>
      tpu.enqueue_dma source(%arg11 : memref<32x64xf32, #tpu.memory_space<vmem>>) target(%dma_start3A_16 : memref<32x64xf32, #tpu.memory_space<hbm>>) target_semaphore(%run_scoped3A : memref<!tpu.dma_semaphore, #tpu.memory_space<semaphore_mem>>)
      %dma_wait3A_17 = arith.constant 0 : i32
      %dma_wait3A_18 = tpu.memref_slice %arg7[%mul3A_2, %dma_wait3A_17] : memref<1024x64xf32, #tpu.memory_space<hbm>> -> memref<32x64xf32, #tpu.memory_space<hbm>>
      %dma_wait3A_19 = arith.constant 0 : i32
      %dma_wait3A_20 = tpu.memref_slice %arg7[%mul3A_2, %dma_wait3A_19] : memref<1024x64xf32, #tpu.memory_space<hbm>> -> memref<32x64xf32, #tpu.memory_space<hbm>>
      tpu.wait_dma2 semaphore(%run_scoped3A : memref<!tpu.dma_semaphore, #tpu.memory_space<semaphore_mem>>) src(%arg11 : memref<32x64xf32, #tpu.memory_space<vmem>>) dst(%dma_wait3A_20 : memref<32x64xf32, #tpu.memory_space<hbm>>)
      tpu.yield
    }) : () -> ()
    return
  }
}

module attributes {stable_mosaic.version = 14 : i64} {
  func.func @_argmin_body(%arg0: i32, %arg1: memref<1024x3xf32, #tpu.memory_space<vmem>>, %arg2: memref<3x2048xf32, #tpu.memory_space<vmem>>, %arg3: memref<1024x1xf32, #tpu.memory_space<vmem>>, %arg4: memref<1024x1xi32, #tpu.memory_space<vmem>>, %arg5: memref<1024x1xf32, #tpu.memory_space<vmem>>, %arg6: memref<1024x1xf32, #tpu.memory_space<vmem>>) attributes {dimension_semantics = [#tpu.dimension_semantics<arbitrary>], iteration_bounds = array<i64: 10>, scalar_prefetch = 0 : i64, scratch_operands = 2 : i64, tpu.core_type = #tpu.core_type<tc>, window_params = [{pipeline_mode = #tpu.pipeline_mode<synchronous>, transform_indices = @transform_0, window_bounds = array<i64: 1024, 3>}, {transform_indices = @transform_1, window_bounds = array<i64: 3, 2048>}, {pipeline_mode = #tpu.pipeline_mode<synchronous>, transform_indices = @transform_2, window_bounds = array<i64: 1024, 1>}, {pipeline_mode = #tpu.pipeline_mode<synchronous>, transform_indices = @transform_3, window_bounds = array<i64: 1024, 1>}]} {
    %get3A = arith.constant 0 : index
    %get3A_0 = arith.constant 0 : index
    %get3A_1 = vector.load %arg1[%get3A, %get3A_0] : memref<1024x3xf32, #tpu.memory_space<vmem>>, vector<1024x3xf32>
    %get3A_2 = arith.constant 0 : index
    %get3A_3 = arith.constant 0 : index
    %get3A_4 = vector.load %arg2[%get3A_2, %get3A_3] : memref<3x2048xf32, #tpu.memory_space<vmem>>, vector<3x2048xf32>
    %slice3A = vector.extract_strided_slice %get3A_4 {offsets = [0, 0], sizes = [1, 2048], strides = [1, 1]} : vector<3x2048xf32> to vector<1x2048xf32>
    %slice3A_5 = vector.extract_strided_slice %get3A_4 {offsets = [0, 0], sizes = [1, 2048], strides = [1, 1]} : vector<3x2048xf32> to vector<1x2048xf32>
    %mul3A = arith.mulf %slice3A, %slice3A_5 : vector<1x2048xf32>
    %slice3A_6 = vector.extract_strided_slice %get3A_4 {offsets = [1, 0], sizes = [1, 2048], strides = [1, 1]} : vector<3x2048xf32> to vector<1x2048xf32>
    %slice3A_7 = vector.extract_strided_slice %get3A_4 {offsets = [1, 0], sizes = [1, 2048], strides = [1, 1]} : vector<3x2048xf32> to vector<1x2048xf32>
    %mul3A_8 = arith.mulf %slice3A_6, %slice3A_7 : vector<1x2048xf32>
    %add3A = arith.addf %mul3A, %mul3A_8 : vector<1x2048xf32>
    %slice3A_9 = vector.extract_strided_slice %get3A_4 {offsets = [2, 0], sizes = [1, 2048], strides = [1, 1]} : vector<3x2048xf32> to vector<1x2048xf32>
    %slice3A_10 = vector.extract_strided_slice %get3A_4 {offsets = [2, 0], sizes = [1, 2048], strides = [1, 1]} : vector<3x2048xf32> to vector<1x2048xf32>
    %mul3A_11 = arith.mulf %slice3A_9, %slice3A_10 : vector<1x2048xf32>
    %add3A_12 = arith.addf %add3A, %mul3A_11 : vector<1x2048xf32>
    %mul3A_13 = arith.constant -2.000000e+00 : f32
    %mul3A_14 = vector.broadcast %mul3A_13 : f32 to vector<3x2048xf32>
    %mul3A_15 = arith.mulf %get3A_4, %mul3A_14 : vector<3x2048xf32>
    %dot_general3A = arith.constant dense<0.000000e+00> : vector<1024x2048xf32>
    %dot_general3A_16 = tpu.matmul %get3A_1, %mul3A_15, %dot_general3A {dimension_numbers = #tpu.dot_dimension_numbers<[1], [0], [0], [1], [0, 0, 1, 1], [], []>, transpose_lhs_hint = false} : vector<1024x3xf32>, vector<3x2048xf32>, vector<1024x2048xf32> -> vector<1024x2048xf32>
    %get3A_17 = arith.constant 0 : index
    %get3A_18 = arith.constant 0 : index
    %get3A_19 = vector.load %arg3[%get3A_17, %get3A_18] : memref<1024x1xf32, #tpu.memory_space<vmem>>, vector<1024x1xf32>
    %add3A_20 = vector.broadcast %get3A_19 : vector<1024x1xf32> to vector<1024x2048xf32>
    %add3A_21 = vector.broadcast %add3A_12 : vector<1x2048xf32> to vector<1024x2048xf32>
    %add3A_22 = arith.addf %add3A_20, %add3A_21 : vector<1024x2048xf32>
    %add3A_23 = arith.addf %add3A_22, %dot_general3A_16 : vector<1024x2048xf32>
    %reduce_min3A = arith.constant dense<0x7F800000> : vector<1024xf32>
    %reduce_min3A_24 = vector.multi_reduction <minimumf>, %add3A_23, %reduce_min3A [1] : vector<1024x2048xf32> to vector<1024xf32>
    %broadcast_in_dim3A = vector.shape_cast %reduce_min3A_24 : vector<1024xf32> to vector<1024x1xf32>
    %iota3A = tpu.iota {dimensions = array<i32: 1>} : vector<1x2048xi32>
    %mul3A_25 = arith.constant 2048 : i32
    %mul3A_26 = arith.muli %arg0, %mul3A_25 : i32
    %add3A_27 = vector.broadcast %mul3A_26 : i32 to vector<1x2048xi32>
    %add3A_28 = arith.addi %iota3A, %add3A_27 : vector<1x2048xi32>
    %convert_element_type3A = arith.sitofp %add3A_28 : vector<1x2048xi32> to vector<1x2048xf32>
    %eq3A = vector.broadcast %broadcast_in_dim3A : vector<1024x1xf32> to vector<1024x2048xf32>
    %eq3A_29 = arith.cmpf oeq, %add3A_23, %eq3A : vector<1024x2048xf32>
    %broadcast_in_dim3A_30 = vector.shape_cast %convert_element_type3A : vector<1x2048xf32> to vector<1x2048xf32>
    %broadcast_in_dim3A_31 = vector.broadcast %broadcast_in_dim3A_30 : vector<1x2048xf32> to vector<1024x2048xf32>
    %jit3A = arith.constant 3.000000e+38 : f32
    %broadcast_in_dim3A_32 = vector.broadcast %jit3A : f32 to vector<1024x2048xf32>
    %select_n3A = arith.select %eq3A_29, %broadcast_in_dim3A_31, %broadcast_in_dim3A_32 : vector<1024x2048xi1>, vector<1024x2048xf32>
    %reduce_min3A_33 = arith.constant dense<0x7F800000> : vector<1024xf32>
    %reduce_min3A_34 = vector.multi_reduction <minimumf>, %select_n3A, %reduce_min3A_33 [1] : vector<1024x2048xf32> to vector<1024xf32>
    %broadcast_in_dim3A_35 = vector.shape_cast %reduce_min3A_34 : vector<1024xf32> to vector<1024x1xf32>
    %eq3A_36 = arith.constant 0 : i32
    %eq3A_37 = arith.cmpi eq, %arg0, %eq3A_36 : i32
    %convert_element_type3A_38 = arith.extui %eq3A_37 : i1 to i32
    %cond3A = arith.constant 0 : i32
    %cond3A_39 = arith.cmpi ne, %convert_element_type3A_38, %cond3A : i32
    scf.if %cond3A_39 {
      %broadcast_in_dim3A_61 = arith.constant 3.000000e+38 : f32
      %broadcast_in_dim3A_62 = vector.broadcast %broadcast_in_dim3A_61 : f32 to vector<1024x1xf32>
      %swap3A_63 = arith.constant 0 : index
      %swap3A_64 = arith.constant 0 : index
      %swap3A_65 = vector.load %arg5[%swap3A_63, %swap3A_64] : memref<1024x1xf32, #tpu.memory_space<vmem>>, vector<1024x1xf32>
      tpu.vector_store %arg5[%swap3A_63, %swap3A_64], %broadcast_in_dim3A_62 {strides = array<i32>} : memref<1024x1xf32, #tpu.memory_space<vmem>>, vector<1024x1xf32>,
      %broadcast_in_dim3A_66 = arith.constant 0.000000e+00 : f32
      %broadcast_in_dim3A_67 = vector.broadcast %broadcast_in_dim3A_66 : f32 to vector<1024x1xf32>
      %swap3A_68 = arith.constant 0 : index
      %swap3A_69 = arith.constant 0 : index
      %swap3A_70 = vector.load %arg6[%swap3A_68, %swap3A_69] : memref<1024x1xf32, #tpu.memory_space<vmem>>, vector<1024x1xf32>
      tpu.vector_store %arg6[%swap3A_68, %swap3A_69], %broadcast_in_dim3A_67 {strides = array<i32>} : memref<1024x1xf32, #tpu.memory_space<vmem>>, vector<1024x1xf32>,
    } else {
    }
    %get3A_40 = arith.constant 0 : index
    %get3A_41 = arith.constant 0 : index
    %get3A_42 = vector.load %arg5[%get3A_40, %get3A_41] : memref<1024x1xf32, #tpu.memory_space<vmem>>, vector<1024x1xf32>
    %lt3A = arith.cmpf olt, %broadcast_in_dim3A, %get3A_42 : vector<1024x1xf32>
    %get3A_43 = arith.constant 0 : index
    %get3A_44 = arith.constant 0 : index
    %get3A_45 = vector.load %arg5[%get3A_43, %get3A_44] : memref<1024x1xf32, #tpu.memory_space<vmem>>, vector<1024x1xf32>
    %select_n3A_46 = arith.select %lt3A, %broadcast_in_dim3A, %get3A_45 : vector<1024x1xi1>, vector<1024x1xf32>
    %swap3A = arith.constant 0 : index
    %swap3A_47 = arith.constant 0 : index
    %swap3A_48 = vector.load %arg5[%swap3A, %swap3A_47] : memref<1024x1xf32, #tpu.memory_space<vmem>>, vector<1024x1xf32>
    tpu.vector_store %arg5[%swap3A, %swap3A_47], %select_n3A_46 {strides = array<i32>} : memref<1024x1xf32, #tpu.memory_space<vmem>>, vector<1024x1xf32>,
    %get3A_49 = arith.constant 0 : index
    %get3A_50 = arith.constant 0 : index
    %get3A_51 = vector.load %arg6[%get3A_49, %get3A_50] : memref<1024x1xf32, #tpu.memory_space<vmem>>, vector<1024x1xf32>
    %select_n3A_52 = arith.select %lt3A, %broadcast_in_dim3A_35, %get3A_51 : vector<1024x1xi1>, vector<1024x1xf32>
    %swap3A_53 = arith.constant 0 : index
    %swap3A_54 = arith.constant 0 : index
    %swap3A_55 = vector.load %arg6[%swap3A_53, %swap3A_54] : memref<1024x1xf32, #tpu.memory_space<vmem>>, vector<1024x1xf32>
    tpu.vector_store %arg6[%swap3A_53, %swap3A_54], %select_n3A_52 {strides = array<i32>} : memref<1024x1xf32, #tpu.memory_space<vmem>>, vector<1024x1xf32>,
    %eq3A_56 = arith.constant 9 : i32
    %eq3A_57 = arith.cmpi eq, %arg0, %eq3A_56 : i32
    %convert_element_type3A_58 = arith.extui %eq3A_57 : i1 to i32
    %cond3A_59 = arith.constant 0 : i32
    %cond3A_60 = arith.cmpi ne, %convert_element_type3A_58, %cond3A_59 : i32
    scf.if %cond3A_60 {
      %get3A_61 = arith.constant 0 : index
      %get3A_62 = arith.constant 0 : index
      %get3A_63 = vector.load %arg6[%get3A_61, %get3A_62] : memref<1024x1xf32, #tpu.memory_space<vmem>>, vector<1024x1xf32>
      %convert_element_type3A_64 = arith.fptosi %get3A_63 : vector<1024x1xf32> to vector<1024x1xi32>
      %swap3A_65 = arith.constant 0 : index
      %swap3A_66 = arith.constant 0 : index
      %swap3A_67 = vector.load %arg4[%swap3A_65, %swap3A_66] : memref<1024x1xi32, #tpu.memory_space<vmem>>, vector<1024x1xi32>
      tpu.vector_store %arg4[%swap3A_65, %swap3A_66], %convert_element_type3A_64 {strides = array<i32>} : memref<1024x1xi32, #tpu.memory_space<vmem>>, vector<1024x1xi32>,
    } else {
    }
    return
  }
  func.func @transform_0(%arg0: i32) -> (i32, i32) {
    %c0_i32 = arith.constant 0 : i32
    %c0_i32_0 = arith.constant 0 : i32
    %c0_i32_1 = arith.constant 0 : i32
    return %c0_i32, %c0_i32_0 : i32, i32
  }
  func.func @transform_1(%arg0: i32) -> (i32, i32) {
    %c0_i32 = arith.constant 0 : i32
    %c0_i32_0 = arith.constant 0 : i32
    return %c0_i32, %arg0 : i32, i32
  }
  func.func @transform_2(%arg0: i32) -> (i32, i32) {
    %c0_i32 = arith.constant 0 : i32
    %c0_i32_0 = arith.constant 0 : i32
    %c0_i32_1 = arith.constant 0 : i32
    return %c0_i32, %c0_i32_0 : i32, i32
  }
  func.func @transform_3(%arg0: i32) -> (i32, i32) {
    %c0_i32 = arith.constant 0 : i32
    %c0_i32_0 = arith.constant 0 : i32
    %c0_i32_1 = arith.constant 0 : i32
    return %c0_i32, %c0_i32_0 : i32, i32
  }
}

module attributes {stable_mosaic.version = 14 : i64} {
  func.func @_mlp_body(%arg0: memref<1024x64xf32, #tpu.memory_space<vmem>>, %arg1: memref<1024x64xf32, #tpu.memory_space<vmem>>, %arg2: memref<64x128xf32, #tpu.memory_space<vmem>>, %arg3: memref<64x128xf32, #tpu.memory_space<vmem>>, %arg4: memref<1x128xf32, #tpu.memory_space<vmem>>, %arg5: memref<128x1xf32, #tpu.memory_space<vmem>>, %arg6: memref<1x1xf32, #tpu.memory_space<vmem>>, %arg7: memref<1024x1xf32, #tpu.memory_space<vmem>>) attributes {dimension_semantics = [], scalar_prefetch = 0 : i64, scratch_operands = 0 : i64, tpu.core_type = #tpu.core_type<tc>} {
    %get3A = arith.constant 0 : index
    %get3A_0 = arith.constant 0 : index
    %get3A_1 = vector.load %arg0[%get3A, %get3A_0] : memref<1024x64xf32, #tpu.memory_space<vmem>>, vector<1024x64xf32>
    %get3A_2 = arith.constant 0 : index
    %get3A_3 = arith.constant 0 : index
    %get3A_4 = vector.load %arg2[%get3A_2, %get3A_3] : memref<64x128xf32, #tpu.memory_space<vmem>>, vector<64x128xf32>
    %dot_general3A = arith.constant dense<0.000000e+00> : vector<1024x128xf32>
    %dot_general3A_5 = tpu.matmul %get3A_1, %get3A_4, %dot_general3A {dimension_numbers = #tpu.dot_dimension_numbers<[1], [0], [0], [1], [0, 0, 1, 1], [], []>, transpose_lhs_hint = false} : vector<1024x64xf32>, vector<64x128xf32>, vector<1024x128xf32> -> vector<1024x128xf32>
    %get3A_6 = arith.constant 0 : index
    %get3A_7 = arith.constant 0 : index
    %get3A_8 = vector.load %arg1[%get3A_6, %get3A_7] : memref<1024x64xf32, #tpu.memory_space<vmem>>, vector<1024x64xf32>
    %get3A_9 = arith.constant 0 : index
    %get3A_10 = arith.constant 0 : index
    %get3A_11 = vector.load %arg3[%get3A_9, %get3A_10] : memref<64x128xf32, #tpu.memory_space<vmem>>, vector<64x128xf32>
    %dot_general3A_12 = arith.constant dense<0.000000e+00> : vector<1024x128xf32>
    %dot_general3A_13 = tpu.matmul %get3A_8, %get3A_11, %dot_general3A_12 {dimension_numbers = #tpu.dot_dimension_numbers<[1], [0], [0], [1], [0, 0, 1, 1], [], []>, transpose_lhs_hint = false} : vector<1024x64xf32>, vector<64x128xf32>, vector<1024x128xf32> -> vector<1024x128xf32>
    %add3A = arith.addf %dot_general3A_5, %dot_general3A_13 : vector<1024x128xf32>
    %get3A_14 = arith.constant 0 : index
    %get3A_15 = arith.constant 0 : index
    %get3A_16 = vector.load %arg4[%get3A_14, %get3A_15] : memref<1x128xf32, #tpu.memory_space<vmem>>, vector<1x128xf32>
    %add3A_17 = vector.broadcast %get3A_16 : vector<1x128xf32> to vector<1024x128xf32>
    %add3A_18 = arith.addf %add3A, %add3A_17 : vector<1024x128xf32>
    %max3A = arith.constant 0.000000e+00 : f32
    %max3A_19 = vector.broadcast %max3A : f32 to vector<1024x128xf32>
    %max3A_20 = arith.maximumf %add3A_18, %max3A_19 : vector<1024x128xf32>
    %get3A_21 = arith.constant 0 : index
    %get3A_22 = arith.constant 0 : index
    %get3A_23 = vector.load %arg5[%get3A_21, %get3A_22] : memref<128x1xf32, #tpu.memory_space<vmem>>, vector<128x1xf32>
    %dot_general3A_24 = arith.constant dense<0.000000e+00> : vector<1024x1xf32>
    %dot_general3A_25 = tpu.matmul %max3A_20, %get3A_23, %dot_general3A_24 {dimension_numbers = #tpu.dot_dimension_numbers<[1], [0], [0], [1], [0, 0, 1, 1], [], []>, transpose_lhs_hint = false} : vector<1024x128xf32>, vector<128x1xf32>, vector<1024x1xf32> -> vector<1024x1xf32>
    %get3A_26 = arith.constant 0 : index
    %get3A_27 = arith.constant 0 : index
    %get3A_28 = vector.load %arg6[%get3A_26, %get3A_27] : memref<1x1xf32, #tpu.memory_space<vmem>>, vector<1x1xf32>
    %add3A_29 = vector.broadcast %get3A_28 : vector<1x1xf32> to vector<1024x1xf32>
    %add3A_30 = arith.addf %dot_general3A_25, %add3A_29 : vector<1024x1xf32>
    %swap3A = arith.constant 0 : index
    %swap3A_31 = arith.constant 0 : index
    %swap3A_32 = vector.load %arg7[%swap3A, %swap3A_31] : memref<1024x1xf32, #tpu.memory_space<vmem>>, vector<1024x1xf32>
    tpu.vector_store %arg7[%swap3A, %swap3A_31], %add3A_30 {strides = array<i32>} : memref<1024x1xf32, #tpu.memory_space<vmem>>, vector<1024x1xf32>,
    return
  }
}

</mosaic_0001>

<sc_bundles>
// kernel: kernel.6.cloned.1.call-start
scs
__scs_entry_jumppad:
0x0: {  	(pc) =	sbr.rel $0x88, $3  }
0x1: {  	(tag) =	ssettag $0x0;
	lr =	simm.s32 $0x1  }
0x2: {  	[smem:$0x3F97] =	sst lr;
	_ =	strace $0xD0000000  }
0x3: {  	_ = 	snop  }
0x4: {  	_ = 	snop  }
0x5: {  	_ = 	snop  }
0x6: {  	_ = 	snop  }
0x7: {  	_ = 	snop  }
__scs_overlays_trampoline_lowered:
0x8: {  	[smem:$0x3FA6] =	sst s0  }
0x9: {  	[smem:$0x3FA7] =	sst s1  }
0xa: {  	[smem:$0x3FA8] =	sst s2  }
0xb: {  	[smem:$0x3FA9] =	sst s3  }
0xc: {  	[smem:$0x3FAA] =	sst s4  }
0xd: {  	[smem:$0x3FAB] =	sst s5  }
0xe: {  	[smem:$0x3FAC] =	sst s6  }
0xf: {  	[smem:$0x3FAD] =	sst s7  }
0x10: {  	[smem:$0x3FAE] =	sst s8  }
0x11: {  	[smem:$0x3FAF] =	sst s9;
	s0 =	simm.s32 @!p0 $0x0  }
0x12: {  	s1 =	sld [smem:$0x3F95];
	s0 =	simm.s32 @p0 $0x1  }
0x13: {  	[smem:$0x3FB0] =	sst s0;
	s0 =	simm.s32 @!p1 $0x0  }
0x14: {  	s2 =	sld [smem:$0x3F94];
	s0 =	simm.s32 @p1 $0x1  }
0x15: {  	[smem:$0x3FB1] =	sst s0;
	s0 =	simm.s32 @!p2 $0x0  }
0x16: {  	s3 =	sld [smem:$0x3FDB];
	s0 =	simm.s32 @p2 $0x1  }
0x17: {  	s4 =	simm.s32 $0x1BF5;
	[smem:$0x3FB3] =	sst s0  }
0x18: {  	s0 =	sld [smem:$0x3F96];
	_ =	swait.ge [sflag:s4], $0x0  }
0x19: {  	s7 =	sld [smem:$0x3F97]  }
0x1a: {  	s8 =	sadd.s32 $0xFFFFE003, lr  }
0x1b: {  	s9 =	sadd.s32 $0xFFFFFEF7, lr;
	s5 =	simm.s32 $0xFFFFFFFF;
	p2 =	slt.u32 s8, $0xFFFFF086  }
0x1c: {  	p1 =	slt.u32 s9, $0xF7A;
	s5 =	simm.s32 @!p2 $0x0  }
0x1d: {  	s5 =	simm.s32 @p1 $0x1;
	p0 =	seq.s32 s7, s2  }
0x1e: {  	s7 =	smul.u32 @!p0 $0xF7A, s2;
	p2 =	seq.s32 @!p0 s5, $0x0  }
0x1f: {  	s9 =	smul.u32 $0xF7A, s1;
	s8 =	simm.s32 @!p0 $0x1BF5;
	p2 =	por !p2, p0  }
0x20: {  	[sflag:s8] =	ssyncset.s32 @!p0 $0xFFFFF086;
	s6 =	sadd.s32 @!p0 s3, s7;
	s7 =	simm.s32 @!p0 $0x108  }
0x21: {  	s3 =	sadd.s32 s3, s9;
	s6 =	sadd.s32 @!p0 $0x88, s6;
	s7 =	simm.s32 @p2 $0x1082  }
0x22: {  	[simem:s7], [sflag:s8] =	dma.local @!p0 [hbm:s6], $0xF7A  }
0x23: {  	s9 =	sor.u32 $0xD0000000, s2;
	s6 =	simm.s32 $0x108;
	_ =	swait.ge @!p0 [sflag:s8], $0x0  }
0x24: {  	s3 =	sadd.s32 $0x88, s3;
	s6 =	simm.s32 @!p1 $0x1082;
	[sflag:s4] =	ssyncset.s32 $0xFFFFF086  }
0x25: {  	[simem:s6], [sflag:s4] =	dma.local [hbm:s3], $0xF7A  }
0x26: {  	[smem:$0x3F97] =	sst s1;
	(tag) =	ssettag s2;
	_ =	strace s9  }
0x27: {  	s1 =	sld [smem:$0x3FA7]  }
0x28: {  	s2 =	sld [smem:$0x3FA8]  }
0x29: {  	s4 =	sld [smem:$0x3FAA]  }
0x2a: {  	p0 =	seq.s32 s5, $0x0;
	s5 =	sld [smem:$0x3FAB]  }
0x2b: {  	s6 =	sld [smem:$0x3FAC]  }
0x2c: {  	s7 =	sld [smem:$0x3FAD]  }
0x2d: {  	s3 =	simm.s32 $0x108;
	s8 =	sld [smem:$0x3FAE]  }
0x2e: {  	s3 =	simm.s32 @!p0 $0x1082;
	s9 =	sld [smem:$0x3FAF]  }
0x2f: {  	lr =	sadd.s32 s0, s3;
	s0 =	sld [smem:$0x3FA6]  }
0x30: {  	s3 =	sld [smem:$0x3FA9]  }
0x31: {  	[smem:$0x3FB2] =	sst s10  }
0x32: {  	s10 =	sld [smem:$0x3FB0];
	_ =	sdelay $0x3  }
0x33: {  	p0 =	seq.s32 s10, $0x1;
	s10 =	sld [smem:$0x3FB2];
	_ =	sdelay $0x3  }
0x34: {  	[smem:$0x3FB2] =	sst s10  }
0x35: {  	s10 =	sld [smem:$0x3FB1];
	_ =	sdelay $0x3  }
0x36: {  	p1 =	seq.s32 s10, $0x1;
	s10 =	sld [smem:$0x3FB2];
	_ =	sdelay $0x3  }
0x37: {  	[smem:$0x3FB2] =	sst s10  }
0x38: {  	s10 =	sld [smem:$0x3FB3]  }
0x39: {  	_ = 	snop;
	(pc) =	sbr.ind lr, $3  }
0x3a: {  	_ = 	snop  }
0x3b: {  	_ = 	snop  }
0x3c: {  	p2 =	seq.s32 s10, $0x1;
	s10 =	sld [smem:$0x3FB2]  }
0x3d: {  	_ =	shalt  }
0x3e: {  	_ =	shalt  }
0x3f: {  	_ =	shalt  }
0x40: {  	_ =	shalt  }
0x41: {  	_ =	shalt  }
0x42: {  	_ =	shalt  }
0x43: {  	_ =	shalt  }
0x44: {  	_ =	shalt  }
0x45: {  	_ =	shalt  }
0x46: {  	_ =	shalt  }
0x47: {  	_ =	shalt  }
0x48: {  	_ =	shalt  }
0x49: {  	_ =	shalt  }
0x4a: {  	_ =	shalt  }
0x4b: {  	_ =	shalt  }
0x4c: {  	_ =	shalt  }
0x4d: {  	_ =	shalt  }
0x4e: {  	_ =	shalt  }
0x4f: {  	_ =	shalt  }
0x50: {  	_ =	shalt  }
0x51: {  	_ =	shalt  }
0x52: {  	_ =	shalt  }
0x53: {  	_ =	shalt  }
0x54: {  	_ =	shalt  }
0x55: {  	_ =	shalt  }
0x56: {  	_ =	shalt  }
0x57: {  	_ =	shalt  }
0x58: {  	_ =	shalt  }
0x59: {  	_ =	shalt  }
0x5a: {  	_ =	shalt  }
0x5b: {  	_ =	shalt  }
0x5c: {  	_ =	shalt  }
0x5d: {  	_ =	shalt  }
0x5e: {  	_ =	shalt  }
0x5f: {  	_ =	shalt  }
0x60: {  	_ =	shalt  }
0x61: {  	_ =	shalt  }
0x62: {  	_ =	shalt  }
0x63: {  	_ =	shalt  }
0x64: {  	_ =	shalt  }
0x65: {  	_ =	shalt  }
0x66: {  	_ =	shalt  }
0x67: {  	_ =	shalt  }
0x68: {  	_ =	shalt  }
0x69: {  	_ =	shalt  }
0x6a: {  	_ =	shalt  }
0x6b: {  	_ =	shalt  }
0x6c: {  	_ =	shalt  }
0x6d: {  	_ =	shalt  }
0x6e: {  	_ =	shalt  }
0x6f: {  	_ =	shalt  }
0x70: {  	_ =	shalt  }
0x71: {  	_ =	shalt  }
0x72: {  	_ =	shalt  }
0x73: {  	_ =	shalt  }
0x74: {  	_ =	shalt  }
0x75: {  	_ =	shalt  }
0x76: {  	_ =	shalt  }
0x77: {  	_ =	shalt  }
0x78: {  	_ =	shalt  }
0x79: {  	_ =	shalt  }
0x7a: {  	_ =	shalt  }
0x7b: {  	_ =	shalt  }
0x7c: {  	_ =	shalt  }
0x7d: {  	_ =	shalt  }
0x7e: {  	_ =	shalt  }
0x7f: {  	_ =	shalt  }
0x80: {  	_ =	shalt  }
0x81: {  	_ =	shalt  }
0x82: {  	_ =	shalt  }
0x83: {  	_ =	shalt  }
0x84: {  	_ =	shalt  }
0x85: {  	_ =	shalt  }
0x86: {  	_ =	shalt  }
0x87: {  	_ =	shalt  }
.Lfunc_end0:
.L_simem_size_0:
called_computation_lowered:
.L_overlay_start_0:
0x88: {  	s2 =	sld [smem:$0x3FD9]  }
0x89: {  	s3 =	sld [smem:$0x3FFE];
	_ =	sdelay $0x1  }
0x8a: {  	s1 =	srdreg.scid  }
0x8b: {  	s0 =	sand.u32 $0x1, s1  }
0x8c: {  	s17 =	sshll.u32 s0, $0xA;
	s2 =	sadd.s32 s3, s2  }
0x8d: {  	s2 =	sadd.s32 s2, s17  }
0x8e: {  	[smem:$0x3FBE] =	sst s2  }
0x8f: {  	_ = 	snop  }
0x90: {  	s2 =	sld [smem:$0x3FD0];
	(tm) =	ssettm $0x1  }
0x91: {  	s18 =	sld [smem:$0x3FFB];
	_ =	sdelay $0x3  }
0x92: {  	_ =	strace s18  }
0x93: {  	s3 =	sld [smem:$0x3FFC];
	_ =	sdelay $0x3  }
0x94: {  	_ =	strace s3  }
0x95: {  	s3 =	sld [smem:$0x3FFD];
	_ =	sdelay $0x3  }
0x96: {  	_ =	strace s3  }
0x97: {  	_ =	strace $0x8FFFFFFF  }
0x98: {  	s19 =	sld [smem:$0x3FDB];
	_ =	sdelay $0x1  }
0x99: {  	s4 =	simm.s32 $_scs_section_size  }
0x9a: {  	s5 =	simm.s32 $_size__tile_overlayer_lowered;
	s6 =	simm.s32 $_tile_overlayer_lowered  }
0x9b: {  	s22 =	simm.s32 $0x1BFF;
	s21 =	sshll.u32 s6, $0x1;
	s3 =	sadd.s32 s4, s19  }
0x9c: {  	s7 =	simm.s32 $0x0;
	s20 =	sshll.u32 s5, $0x1;
	s5 =	sadd.s32 s21, s3  }
0x9d: {  	[timem:s7], [sflag:s22] =	dma.local [hbm:s5], s20  }
0x9e: {  	_ =	swait.ge [sflag:s22], s20  }
0x9f: {  	s4 =	ssub.s32 $0x0, s20;
	[sflag:s22] =	ssyncset.done $0x0  }
0xa0: {  	[sflag:s22] =	ssyncadd.s32 s4;
	_ =	sdelay $0x1  }
0xa1: {  	s23 =	simm.s32 $0x1B8B  }
0xa2: {  	_ =	swait.ge [sflag:s23], $0x1  }
0xa3: {  	[sflag:s23] =	ssyncset.done $0x0  }
0xa4: {  	s25 =	simm.s32 $0x1B8E;
	s24 =	sld [smem:$0x3FFE];
	[sflag:s23] =	ssyncadd.s32 $0xFFFFFFFF  }
0xa5: {  	s26 =	simm.s32 $execute0_lowered;
	[smem:$0x3FD2] =	sst s25  }
0xa6: {  	s5 =	sshll.u32 s26, $0x1;
	_ =	strace $0x80000046;
	[dreg:$0x1] =	wrdreg $0xFFFFFFFF  }
0xa7: {  	s28 =	simm.s32 $_size_execute0_lowered;
	s3 =	sadd.s32 s3, s5;
	[dreg:$0x0] =	wrdreg $0x0  }
0xa8: {  	s5 =	sshll.u32 s28, $0x1;
	[dreg:$0x2] =	wrdreg s3  }
0xa9: {  	[dreg:$0x3] =	wrdreg s5  }
0xaa: {  	[dreg:$0x4] =	wrdreg $0xC0  }
0xab: {  	_ =	task [dreg:s7], $0x5FFFF  }
0xac: {  	[dreg:$0x1] =	wrdreg $0xFFFFFFFF  }
0xad: {  	[dreg:$0x0] =	wrdreg $0x60  }
0xae: {  	[dreg:$0x2] =	wrdreg s24  }
0xaf: {  	[dreg:$0x3] =	wrdreg s2  }
0xb0: {  	[dreg:$0x4] =	wrdreg $0x9  }
0xb1: {  	_ =	task.clear_ibuf [dreg:s7], $0x5FFFF;
	_ =	strace $0x90000046  }
0xb2: {  	s29 =	simm.s32 $0x9;
	_ =	strace $0x80000048  }
0xb3: {  	_ =	swait.ge [sflag:s29], $0x1  }
0xb4: {  	[sflag:s29] =	ssyncadd.s32 $0xFFFFFFFF  }
0xb5: {  	_ =	strace $0x90000048  }
0xb6: {  	_ =	sfence  }
0xb7: {  	s30 =	sld [smem:$0x0];
	_ =	sdelay $0x2  }
0xb8: {  	s31 =	sshll.u32 s1, $0xD;
	s1 =	sshrl.u32 s1, $0x2  }
0xb9: {  	s3 =	sand.u32 $0x4000, s31;
	s1 =	sadd.s32 s1, s30  }
0xba: {  	s0 =	sor.u32 s3, s0;
	s1 =	sshll.u32 s1, $0x11  }
0xbb: {  	s0 =	sor.u32 s1, s0  }
0xbc: {  	s0 =	sadd.s32 $0x8F2B, s0  }
0xbd: {  	[sflag:s0] =	ssyncadd.remote.s32 $0x1  }
0xbe: {  	_ =	sfence.sel $0xFFFF  }
0xbf: {  	[dreg:$0x0] =	wrdreg $0xFFFFFFFF;
	(pc) =	sbr.abs _section_cstart, $3  }
0xc0: {  	[dreg:$0x1] =	wrdreg $0xFFFFFFFF  }
0xc1: {  	_ =	task.clear_ibuf [dreg:s7], $0x2FFFF;
	_ =	strace $0x9FFFFFFF  }
0xc2: {  	(tm) =	ssettm $0x7FFFFFFF  }
0xc3: {  	_ =	shalt  }
tec
execute0_lowered:
.L_overlay_start_1:
0x0: {  	(tag) =	ssettag $0x1  }
0x1: {  	s1 =	srdreg.scid  }
0x2: {  	s2 =	rddreg [dreg:$0x0];
	s0 =	stileid.u32;
	s13 =	sand.u32 $0x1, s1  }
0x3: {  	s4 =	rddreg [dreg:$0x1];
	s5 =	sshll.u32 s0, $0x6;
	s6 =	sshll.u32 s13, $0x5  }
0x4: {  	s3 =	simm.s32 $0x0;
	s1 =	rddreg [dreg:$0x2];
	s14 =	sor.u32 s6, s5  }
0x5: {  	[smem:$0x7FF] =	sst s3;
	s6 =	sshrl.u32 s14, $0x3  }
0x6: {  	_ =	strace $0x80000047;
	s5 =	sadd.s32 s4, s6;
	s4 =	simm.s32 $0x3  }
0x7: {  	[tilespmem:s3], [sflag:$0x3] =	stream.linear.gather [hbm4b:s5+s3], $0x20, $0x38;
	[tilespmem:$0x1040] =	vst v63  }
0x8: {  	_ =	swait.ge [sflag:s4], $0x20  }
0x9: {  	s6 =	sadd.s32 s6, s2;
	[sflag:s4] =	ssyncset.done $0x0  }
0xa: {  	s7 =	simm.s32 $0x820;
	s6 =	sadd.s32 $0x4E400, s6;
	[sflag:s4] =	ssyncadd.s32 $0xFFFFFFE0  }
0xb: {  	[tilespmem:s7], [sflag:$0x3] =	stream.linear.gather [hbm4b:s6+s3], $0x20, $0x38;
	[tilespmem:$0x1040] =	vst v63  }
0xc: {  	_ =	swait.ge [sflag:s4], $0x20  }
0xd: {  	[sflag:s4] =	ssyncset.done $0x0  }
0xe: {  	s9 =	simm.s32 $0x20;
	s8 =	sadd.s32 $0x27200, s2;
	[sflag:s4] =	ssyncadd.s32 $0xFFFFFFE0  }
0xf: {  	[tilespmem:s9], [sflag:$0x1] =	stream.indirect.gather [hbm4b:s8+s9], $0x40, s3, s9, $0xb8;
	[tilespmem:$0x1040] =	vst v63  }
0x10: {  	s10 =	simm.s32 $0x840;
	s11 =	simm.s32 $0x1  }
0x11: {  	[tilespmem:s10], [sflag:$0x2] =	stream.indirect.gather [hbm4b:s2+s9], $0x40, s7, s9, $0xb8;
	[tilespmem:$0x1040] =	vst v63  }
0x12: {  	_ =	swait.ge [sflag:s11], $0x800  }
0x13: {  	[sflag:s11] =	ssyncset.done $0x0  }
0x14: {  	s12 =	simm.s32 $0x2;
	s15 =	ssub.s32 $0x2, s13;
	[sflag:s11] =	ssyncadd.s32 $0xFFFFF800  }
0x15: {  	s16 =	sshrl.u32 s15, $0x1;
	s14 =	sshll.u32 s14, $0x3;
	_ =	swait.ge [sflag:s12], $0x800  }
0x16: {  	s15 =	ssub.s32 s15, s16;
	s14 =	sadd.s32 s14, s2;
	[sflag:s12] =	ssyncset.done $0x0  }
0x17: {  	s15 =	smax.u32 s15, $0x1;
	s13 =	sadd.s32 $0x50600, s14;
	[sflag:s12] =	ssyncadd.s32 $0xFFFFF800  }
0x18: {  	[hbm4b:s13+s3] =	stream.linear.scatter [tilespmem:s9], [sflag:$0x3], $0x800, $0x38;
	[tilespmem:$0x1040] =	vst v63  }
0x19: {  	p0 =	sne.s32 s15, $0x1;
	_ =	swait.ge [sflag:s4], $0x800  }
.Ltmp0:
0x1a: {  	[sflag:s4] =	ssyncset.done $0x0;
	(pc) =	sbr.rel @!p0 .LBB2_2-.Ltmp0, $4  }
0x1b: {  	s14 =	sadd.s32 $0x4E600, s14;
	[sflag:s4] =	ssyncadd.s32 $0xFFFFF800  }
0x1c: {  	[hbm4b:s14+s3] =	stream.linear.scatter [tilespmem:s10], [sflag:$0x3], $0x800, $0x38;
	[tilespmem:$0x1040] =	vst v63  }
0x1d: {  	_ =	swait.ge [sflag:s4], $0x800  }
0x1e: {  	s15 =	sadd.s32 $0xFFFFFFFF, s15;
	[sflag:s4] =	ssyncset.done $0x0  }
.LBB2_1:
0x1f: {  	p0 =	sne.s32 s15, $0x1;
	s15 =	sadd.s32 $0xFFFFFFFF, s15;
	[sflag:s4] =	ssyncadd.s32 $0xFFFFF800  }
0x20: {  	[tilespmem:s3], [sflag:$0x3] =	stream.linear.gather [hbm4b:s5+s3], $0x20, $0x38;
	[tilespmem:$0x1040] =	vst v63  }
0x21: {  	_ =	swait.ge [sflag:s4], $0x20  }
0x22: {  	[sflag:s4] =	ssyncset.done $0x0  }
0x23: {  	[sflag:s4] =	ssyncadd.s32 $0xFFFFFFE0  }
0x24: {  	[tilespmem:s7], [sflag:$0x3] =	stream.linear.gather [hbm4b:s6+s3], $0x20, $0x38;
	[tilespmem:$0x1040] =	vst v63  }
0x25: {  	_ =	swait.ge [sflag:s4], $0x20  }
0x26: {  	[sflag:s4] =	ssyncset.done $0x0  }
0x27: {  	[sflag:s4] =	ssyncadd.s32 $0xFFFFFFE0  }
0x28: {  	[tilespmem:s9], [sflag:$0x1] =	stream.indirect.gather [hbm4b:s8+s9], $0x40, s3, s9, $0xb8;
	[tilespmem:$0x1040] =	vst v63  }
0x29: {  	_ = 	snop  }
0x2a: {  	[tilespmem:s10], [sflag:$0x2] =	stream.indirect.gather [hbm4b:s2+s9], $0x40, s7, s9, $0xb8;
	[tilespmem:$0x1040] =	vst v63  }
0x2b: {  	_ =	swait.ge [sflag:s11], $0x800  }
0x2c: {  	[sflag:s11] =	ssyncset.done $0x0  }
0x2d: {  	[sflag:s11] =	ssyncadd.s32 $0xFFFFF800  }
0x2e: {  	_ =	swait.ge [sflag:s12], $0x800  }
0x2f: {  	[sflag:s12] =	ssyncset.done $0x0  }
0x30: {  	[sflag:s12] =	ssyncadd.s32 $0xFFFFF800  }
0x31: {  	[hbm4b:s13+s3] =	stream.linear.scatter [tilespmem:s9], [sflag:$0x3], $0x800, $0x38;
	[tilespmem:$0x1040] =	vst v63  }
0x32: {  	_ =	swait.ge [sflag:s4], $0x800  }
.Ltmp1:
0x33: {  	[sflag:s4] =	ssyncset.done $0x0;
	(pc) =	sbr.rel @p0 .LBB2_1-.Ltmp1, $4  }
0x34: {  	[sflag:s4] =	ssyncadd.s32 $0xFFFFF800  }
0x35: {  	[hbm4b:s14+s3] =	stream.linear.scatter [tilespmem:s10], [sflag:$0x3], $0x800, $0x38;
	[tilespmem:$0x1040] =	vst v63  }
0x36: {  	_ =	swait.ge [sflag:s4], $0x800  }
0x37: {  	[sflag:s4] =	ssyncset.done $0x0  }
.LBB2_2:
0x38: {  	[sflag:s4] =	ssyncadd.s32 $0xFFFFF800  }
0x39: {  	_ =	sfence.sel $0x180000  }
0x3a: {  	[bflag:$0x0] =	sbarrier.arrive $0xFFFF  }
0x3b: {  	p0 =	sne.s32 s0, $0x0;
	_ =	strace $0x90000047  }
0x3c: {  	s0 =	sadd.s32 @!p0 $0x100000, s1;
	[bflag:$0x2] =	sbarrier.arrive $0xFFFF  }
0x3d: {  	[sflag:s0] =	ssyncadd.tile.s32 @!p0 $0x1;
	_ =	shalt  }
.Lfunc_end2:
_tile_overlayer_lowered:
.L_overlay_start_2:
0x3e: {  	(tag) =	ssettag $0x2  }
0x3f: {  	s0 =	rddreg [dreg:$0x0];
	s2 =	stileid.u32  }
0x40: {  	s1 =	rddreg [dreg:$0x1];
	p0 =	sne.s32 s2, $0x0  }
0x41: {  	s3 =	rddreg [dreg:$0x2];
	[bflag:$0x3] =	sbarrier.arrive $0xFFFF;
	s2 =	simm.s32 @!p0 $0x1C03  }
0x42: {  	[timem:s3], [sflag:s2] =	dma.local @!p0 [hbm:s0], s1  }
0x43: {  	s0 =	simm.s32 @!p0 $0x3  }
0x44: {  	_ =	swait.ge @!p0 [sflag:s0], s1  }
0x45: {  	s1 =	ssub.s32 @!p0 $0x0, s1;
	[sflag:s0] =	ssyncset.done @!p0 $0x0  }
0x46: {  	[sflag:s0] =	ssyncadd.s32 @!p0 s1  }
0x47: {  	[bflag:$0x3] =	sbarrier.arrive $0xFFFF  }
0x48: {  	_ =	shalt  }

</sc_bundles>
